<compile_context>
chip_gen: v7x
topology: tpu7x:2x2x1
jax: 0.10.2.dev20260603
libtpu: 0.0.44.dev20260713+nightly
codegen_flags: <defaults>
</compile_context>

<pallas_src>
import functools
import jax
import jax.numpy as jnp
from jax import lax
from jax.experimental import pallas as pl
from jax.experimental.pallas import tpu as pltpu
from jax.experimental.pallas import tpu_sc as plsc

ROWS = 8192
COLS = 128
GRID = 2
BLK = ROWS // GRID
G3 = 2
BLK3 = ROWS // G3

NW = 32
WROWS = ROWS // NW
SHIFT = 17
NBINS = 1 << 14


def _loss_bits_kernel(x_ref, lbl_ref, bits_ref):
    x0 = x_ref[0]
    x1 = x_ref[1]
    lbl = lbl_ref[...]
    diff = x1 - x0
    d = jnp.where(lbl == 0, diff, -diff)
    pe = jnp.maximum(d, 0.0) + jnp.log1p(jnp.exp(-jnp.abs(d)))
    pe = jnp.where(lbl < 0, 0.0, pe)
    bits_ref[...] = jax.lax.bitcast_convert_type(pe, jnp.int32)


def _sc_hist_kernel(bits_hbm, zeros_hbm, hist_hbm, vals_v, hist_v, sem):
    wid = lax.axis_index("s") * 2 + lax.axis_index("c")
    cp = pltpu.async_copy(bits_hbm.at[pl.ds(wid * WROWS, WROWS)], vals_v, sem)
    pltpu.sync_copy(zeros_hbm, hist_v)
    cp.wait()

    ones = jnp.ones((16,), jnp.int32)

    @plsc.parallel_loop(0, WROWS, 1, unroll=8)
    def hbody(i):
        for j in range(COLS // 16):
            v = vals_v[i, pl.ds(j * 16, 16)]
            b = lax.shift_right_logical(v, SHIFT)
            plsc.addupdate_scatter(hist_v, [b], ones)

    pltpu.sync_copy(hist_v, hist_hbm.at[wid])


def _merge_select_kernel(hist_ref, bits_ref, out_ref, sm_i, sm_f, *, keep):
    step = pl.program_id(0)

    @pl.when(step == 0)
    def _():
        m = jnp.sum(hist_ref[...], axis=0, keepdims=True).astype(jnp.float32)
        iota = lax.broadcasted_iota(jnp.int32, (1, NBINS), 1)
        keepf = jnp.float32(keep)

        def body(i, cur):
            cand = cur | (jnp.int32(1) << (jnp.int32(13) - i))
            cnt = jnp.sum(jnp.where(iota >= cand, m, 0.0))
            return jnp.where(cnt >= keepf, cand, cur)

        bstar = lax.fori_loop(0, 14, body, jnp.int32(0))
        sm_i[0] = (bstar + 1) << SHIFT
        sm_i[1] = 0
        tmid_bits = (bstar << SHIFT) | (1 << (SHIFT - 1))
        sm_f[0] = jax.lax.bitcast_convert_type(tmid_bits, jnp.float32)
        sm_f[1] = 0.0

    @pl.when(step > 0)
    def _():
        bits = bits_ref[...]
        thr = sm_i[0]
        gt = bits >= thr
        pe = jax.lax.bitcast_convert_type(bits, jnp.float32)
        sm_f[1] += jnp.sum(jnp.where(gt, pe, 0.0))
        sm_i[1] += jnp.sum(gt.astype(jnp.int32))

    @pl.when(step == G3)
    def _():
        r = (keep - sm_i[1]).astype(jnp.float32)
        out_ref[0, 0] = (sm_f[1] + r * sm_f[0]) / keep


def kernel(class_out, label):
    n = label.shape[0]
    keep = int(n * 0.7)
    xt = jnp.transpose(class_out.astype(jnp.float32)).reshape(2, ROWS, COLS)
    lbl = label.astype(jnp.int32).reshape(ROWS, COLS)

    bits = pl.pallas_call(
        _loss_bits_kernel,
        grid=(GRID,),
        in_specs=[
            pl.BlockSpec((2, BLK, COLS), lambda i: (0, i, 0)),
            pl.BlockSpec((BLK, COLS), lambda i: (i, 0)),
        ],
        out_specs=pl.BlockSpec((BLK, COLS), lambda i: (i, 0)),
        out_shape=jax.ShapeDtypeStruct((ROWS, COLS), jnp.int32),
    )(xt, lbl)

    mesh = plsc.VectorSubcoreMesh(core_axis_name="c", subcore_axis_name="s")
    hists = pl.kernel(
        _sc_hist_kernel,
        out_type=jax.ShapeDtypeStruct((NW, NBINS), jnp.int32),
        mesh=mesh,
        compiler_params=pltpu.CompilerParams(
            needs_layout_passes=False, use_tc_tiling_on_sc=True),
        scratch_types=[
            pltpu.VMEM((WROWS, COLS), jnp.int32),
            pltpu.VMEM((NBINS,), jnp.int32),
            pltpu.SemaphoreType.DMA,
        ],
    )(bits, jnp.zeros((NBINS,), jnp.int32))

    out = pl.pallas_call(
        functools.partial(_merge_select_kernel, keep=keep),
        grid=(G3 + 1,),
        in_specs=[
            pl.BlockSpec((NW, NBINS), lambda i: (0, 0)),
            pl.BlockSpec((BLK3, COLS),
                         lambda i: (jnp.maximum(i - 1, 0), 0)),
        ],
        out_specs=pl.BlockSpec(
            (1, 1), lambda i: (0, 0), memory_space=pltpu.SMEM),
        out_shape=jax.ShapeDtypeStruct((1, 1), jnp.float32),
        scratch_shapes=[
            pltpu.SMEM((2,), jnp.int32),
            pltpu.SMEM((2,), jnp.float32),
        ],
    )(hists, bits)
    return out[0, 0]

# --- scband reference (transcript-rebuilt; emitter-appended) ---
"""Pipeline reference for scband-class-loss-41575283425810 (READ-ONLY COPY).

The authoritative reference and input builder live on the scoring server;
editing this copy changes nothing except your own understanding.
"""

import jax, jax.numpy as jnp
import numpy as np

N = 1048576

def setup_inputs(seed: int = 0) -> dict:
    key = jax.random.key(seed)
    k1, k2 = jax.random.split(key)
    class_out = jax.random.normal(k1, (N, 2), dtype=jnp.float32)
    label = jax.random.randint(k2, (N,), 0, 2, dtype=jnp.int64)
    return {"class_out": class_out, "label": label}

def reference(class_out, label):
    # label = torch.where(label < 0, -100, label)
    lbl = jnp.where(label < 0, -100, label)
    # valid_label / num_valid / keep_num (python int, computed eagerly)
    valid = jnp.where(lbl >= 0, 1, 0)
    num_valid = jnp.sum(valid)
    keep_num = int(label.shape[0] * 0.7)
    # CrossEntropyLoss(ignore_index=-100, reduction='none')
    logp = jax.nn.log_softmax(class_out.astype(jnp.float32), axis=-1)
    safe_lbl = jnp.where(lbl < 0, 0, lbl)
    per_elem = -jnp.take_along_axis(logp, safe_lbl[:, None], axis=1)[:, 0]
    per_elem = jnp.where(lbl < 0, 0.0, per_elem)
    # online hard example mining: keep top keep_num losses
    top_losses, _ = jax.lax.top_k(per_elem, keep_num)
    return jnp.mean(top_losses)

if __name__ == "__main__":
    import jax
    _d = setup_inputs()
    print(jax.jit(kernel)(*tuple(_d.values())))

</pallas_src>

<mosaic_0001>
#map = affine_map<(d0, d1) -> (0, 0)>
#map1 = affine_map<(d0, d1) -> (0)>
module attributes {stable_mosaic.version = 14 : i64} {
  func.func @_sc_hist_kernel(%arg0: i32, %arg1: i32, %arg2: memref<8192x128xi32, #tpu.memory_space<hbm>>, %arg3: memref<16384xi32, #tpu.memory_space<hbm>>, %arg4: memref<32x16384xi32, #tpu.memory_space<hbm>>, %arg5: memref<256x128xi32, #tpu.memory_space<vmem>>, %arg6: memref<16384xi32, #tpu.memory_space<vmem>>, %arg7: memref<!tpu.dma_semaphore, #tpu.memory_space<semaphore_mem>>) attributes {dimension_semantics = [#tpu.dimension_semantics<core_parallel>, #tpu.dimension_semantics<subcore_parallel>], iteration_bounds = array<i64: 2, 16>, scalar_prefetch = 0 : i64, scratch_operands = 3 : i64, tpu.core_type = #tpu.core_type<sc_vector_subcore>, window_params = [{transform_indices = #map}, {transform_indices = #map1}, {transform_indices = #map}]} {
    %mul3A = arith.constant 2 : i32
    %mul3A_0 = arith.muli %arg1, %mul3A : i32
    %add3A = arith.addi %mul3A_0, %arg0 : i32
    %mul3A_1 = arith.constant 256 : i32
    %mul3A_2 = arith.muli %add3A, %mul3A_1 : i32
    %dma_start3A = arith.constant 0 : i32
    %dma_start3A_3 = tpu.memref_slice %arg2[%mul3A_2, %dma_start3A] : memref<8192x128xi32, #tpu.memory_space<hbm>> -> memref<256x128xi32, #tpu.memory_space<hbm>>
    %dma_start3A_4 = arith.constant 0 : i32
    %dma_start3A_5 = tpu.memref_slice %arg2[%mul3A_2, %dma_start3A_4] : memref<8192x128xi32, #tpu.memory_space<hbm>> -> memref<256x128xi32, #tpu.memory_space<hbm>>
    tpu.enqueue_dma source(%dma_start3A_5 : memref<256x128xi32, #tpu.memory_space<hbm>>) target(%arg5 : memref<256x128xi32, #tpu.memory_space<vmem>>) target_semaphore(%arg7 : memref<!tpu.dma_semaphore, #tpu.memory_space<semaphore_mem>>)
    "tpu.region"() ({
      %run_scoped3A = tpu.sem_alloc : memref<!tpu.dma_semaphore, #tpu.memory_space<semaphore_mem>>
      tpu.enqueue_dma source(%arg3 : memref<16384xi32, #tpu.memory_space<hbm>>) target(%arg6 : memref<16384xi32, #tpu.memory_space<vmem>>) target_semaphore(%run_scoped3A : memref<!tpu.dma_semaphore, #tpu.memory_space<semaphore_mem>>)
      tpu.wait_dma2 semaphore(%run_scoped3A : memref<!tpu.dma_semaphore, #tpu.memory_space<semaphore_mem>>) src(%arg3 : memref<16384xi32, #tpu.memory_space<hbm>>) dst(%arg6 : memref<16384xi32, #tpu.memory_space<vmem>>)
      tpu.yield
    }) : () -> ()
    %dma_wait3A = arith.constant 0 : i32
    %dma_wait3A_6 = tpu.memref_slice %arg2[%mul3A_2, %dma_wait3A] : memref<8192x128xi32, #tpu.memory_space<hbm>> -> memref<256x128xi32, #tpu.memory_space<hbm>>
    %dma_wait3A_7 = arith.constant 0 : i32
    %dma_wait3A_8 = tpu.memref_slice %arg2[%mul3A_2, %dma_wait3A_7] : memref<8192x128xi32, #tpu.memory_space<hbm>> -> memref<256x128xi32, #tpu.memory_space<hbm>>
    tpu.wait_dma2 semaphore(%arg7 : memref<!tpu.dma_semaphore, #tpu.memory_space<semaphore_mem>>) src(%dma_wait3A_8 : memref<256x128xi32, #tpu.memory_space<hbm>>) dst(%arg5 : memref<256x128xi32, #tpu.memory_space<vmem>>)
    %broadcast_in_dim3A = arith.constant 1 : i32
    %broadcast_in_dim3A_9 = vector.broadcast %broadcast_in_dim3A : i32 to vector<16xi32>
    %parallel_loop3A = arith.constant 0 : i32
    %parallel_loop3A_10 = arith.constant 256 : i32
    %parallel_loop3A_11 = arith.constant 1 : i32
    scf.for %parallel_loop3A_12 = %parallel_loop3A to %parallel_loop3A_10 step %parallel_loop3A_11  : i32 {
      %parallel_loop3A_13 = arith.index_cast %parallel_loop3A_12 : i32 to index
      %parallel_loop3A_14 = arith.constant 0 : index
      %parallel_loop3A_15 = tpu.vector_load %arg5[%parallel_loop3A_13, %parallel_loop3A_14] {strides = array<i32>} : memref<256x128xi32, #tpu.memory_space<vmem>>, vector<16xi32>,
      %parallel_loop3A_16 = arith.constant 17 : i32
      %parallel_loop3A_17 = vector.broadcast %parallel_loop3A_16 : i32 to vector<16xi32>
      %parallel_loop3A_18 = arith.shrui %parallel_loop3A_15, %parallel_loop3A_17 : vector<16xi32>
      tpu.vector_store_idx %arg6[%parallel_loop3A_18], %broadcast_in_dim3A_9 {add = true} : memref<16384xi32, #tpu.memory_space<vmem>>[vector<16xi32>], vector<16xi32>,
      %parallel_loop3A_19 = arith.index_cast %parallel_loop3A_12 : i32 to index
      %parallel_loop3A_20 = arith.constant 16 : index
      %parallel_loop3A_21 = tpu.vector_load %arg5[%parallel_loop3A_19, %parallel_loop3A_20] {strides = array<i32>} : memref<256x128xi32, #tpu.memory_space<vmem>>, vector<16xi32>,
      %parallel_loop3A_22 = arith.constant 17 : i32
      %parallel_loop3A_23 = vector.broadcast %parallel_loop3A_22 : i32 to vector<16xi32>
      %parallel_loop3A_24 = arith.shrui %parallel_loop3A_21, %parallel_loop3A_23 : vector<16xi32>
      tpu.vector_store_idx %arg6[%parallel_loop3A_24], %broadcast_in_dim3A_9 {add = true} : memref<16384xi32, #tpu.memory_space<vmem>>[vector<16xi32>], vector<16xi32>,
      %parallel_loop3A_25 = arith.index_cast %parallel_loop3A_12 : i32 to index
      %parallel_loop3A_26 = arith.constant 32 : index
      %parallel_loop3A_27 = tpu.vector_load %arg5[%parallel_loop3A_25, %parallel_loop3A_26] {strides = array<i32>} : memref<256x128xi32, #tpu.memory_space<vmem>>, vector<16xi32>,
      %parallel_loop3A_28 = arith.constant 17 : i32
      %parallel_loop3A_29 = vector.broadcast %parallel_loop3A_28 : i32 to vector<16xi32>
      %parallel_loop3A_30 = arith.shrui %parallel_loop3A_27, %parallel_loop3A_29 : vector<16xi32>
      tpu.vector_store_idx %arg6[%parallel_loop3A_30], %broadcast_in_dim3A_9 {add = true} : memref<16384xi32, #tpu.memory_space<vmem>>[vector<16xi32>], vector<16xi32>,
      %parallel_loop3A_31 = arith.index_cast %parallel_loop3A_12 : i32 to index
      %parallel_loop3A_32 = arith.constant 48 : index
      %parallel_loop3A_33 = tpu.vector_load %arg5[%parallel_loop3A_31, %parallel_loop3A_32] {strides = array<i32>} : memref<256x128xi32, #tpu.memory_space<vmem>>, vector<16xi32>,
      %parallel_loop3A_34 = arith.constant 17 : i32
      %parallel_loop3A_35 = vector.broadcast %parallel_loop3A_34 : i32 to vector<16xi32>
      %parallel_loop3A_36 = arith.shrui %parallel_loop3A_33, %parallel_loop3A_35 : vector<16xi32>
      tpu.vector_store_idx %arg6[%parallel_loop3A_36], %broadcast_in_dim3A_9 {add = true} : memref<16384xi32, #tpu.memory_space<vmem>>[vector<16xi32>], vector<16xi32>,
      %parallel_loop3A_37 = arith.index_cast %parallel_loop3A_12 : i32 to index
      %parallel_loop3A_38 = arith.constant 64 : index
      %parallel_loop3A_39 = tpu.vector_load %arg5[%parallel_loop3A_37, %parallel_loop3A_38] {strides = array<i32>} : memref<256x128xi32, #tpu.memory_space<vmem>>, vector<16xi32>,
      %parallel_loop3A_40 = arith.constant 17 : i32
      %parallel_loop3A_41 = vector.broadcast %parallel_loop3A_40 : i32 to vector<16xi32>
      %parallel_loop3A_42 = arith.shrui %parallel_loop3A_39, %parallel_loop3A_41 : vector<16xi32>
      tpu.vector_store_idx %arg6[%parallel_loop3A_42], %broadcast_in_dim3A_9 {add = true} : memref<16384xi32, #tpu.memory_space<vmem>>[vector<16xi32>], vector<16xi32>,
      %parallel_loop3A_43 = arith.index_cast %parallel_loop3A_12 : i32 to index
      %parallel_loop3A_44 = arith.constant 80 : index
      %parallel_loop3A_45 = tpu.vector_load %arg5[%parallel_loop3A_43, %parallel_loop3A_44] {strides = array<i32>} : memref<256x128xi32, #tpu.memory_space<vmem>>, vector<16xi32>,
      %parallel_loop3A_46 = arith.constant 17 : i32
      %parallel_loop3A_47 = vector.broadcast %parallel_loop3A_46 : i32 to vector<16xi32>
      %parallel_loop3A_48 = arith.shrui %parallel_loop3A_45, %parallel_loop3A_47 : vector<16xi32>
      tpu.vector_store_idx %arg6[%parallel_loop3A_48], %broadcast_in_dim3A_9 {add = true} : memref<16384xi32, #tpu.memory_space<vmem>>[vector<16xi32>], vector<16xi32>,
      %parallel_loop3A_49 = arith.index_cast %parallel_loop3A_12 : i32 to index
      %parallel_loop3A_50 = arith.constant 96 : index
      %parallel_loop3A_51 = tpu.vector_load %arg5[%parallel_loop3A_49, %parallel_loop3A_50] {strides = array<i32>} : memref<256x128xi32, #tpu.memory_space<vmem>>, vector<16xi32>,
      %parallel_loop3A_52 = arith.constant 17 : i32
      %parallel_loop3A_53 = vector.broadcast %parallel_loop3A_52 : i32 to vector<16xi32>
      %parallel_loop3A_54 = arith.shrui %parallel_loop3A_51, %parallel_loop3A_53 : vector<16xi32>
      tpu.vector_store_idx %arg6[%parallel_loop3A_54], %broadcast_in_dim3A_9 {add = true} : memref<16384xi32, #tpu.memory_space<vmem>>[vector<16xi32>], vector<16xi32>,
      %parallel_loop3A_55 = arith.index_cast %parallel_loop3A_12 : i32 to index
      %parallel_loop3A_56 = arith.constant 112 : index
      %parallel_loop3A_57 = tpu.vector_load %arg5[%parallel_loop3A_55, %parallel_loop3A_56] {strides = array<i32>} : memref<256x128xi32, #tpu.memory_space<vmem>>, vector<16xi32>,
      %parallel_loop3A_58 = arith.constant 17 : i32
      %parallel_loop3A_59 = vector.broadcast %parallel_loop3A_58 : i32 to vector<16xi32>
      %parallel_loop3A_60 = arith.shrui %parallel_loop3A_57, %parallel_loop3A_59 : vector<16xi32>
      tpu.vector_store_idx %arg6[%parallel_loop3A_60], %broadcast_in_dim3A_9 {add = true} : memref<16384xi32, #tpu.memory_space<vmem>>[vector<16xi32>], vector<16xi32>,
    } {sc.loop_unroll_factor = 8 : i64, sc.parallel_access}
    "tpu.region"() ({
      %run_scoped3A = tpu.sem_alloc : memref<!tpu.dma_semaphore, #tpu.memory_space<semaphore_mem>>
      %dma_start3A_12 = arith.constant 0 : i32
      %dma_start3A_13 = tpu.memref_slice %arg4[%add3A, %dma_start3A_12] : memref<32x16384xi32, #tpu.memory_space<hbm>> -> memref<1x16384xi32, #tpu.memory_space<hbm>>
      %dma_start3A_14 = tpu.memref_squeeze %dma_start3A_13 : memref<1x16384xi32, #tpu.memory_space<hbm>> -> memref<16384xi32, #tpu.memory_space<hbm>>
      %dma_start3A_15 = arith.constant 0 : i32
      %dma_start3A_16 = tpu.memref_slice %arg4[%add3A, %dma_start3A_15] : memref<32x16384xi32, #tpu.memory_space<hbm>> -> memref<1x16384xi32, #tpu.memory_space<hbm>>
      %dma_start3A_17 = tpu.memref_squeeze %dma_start3A_16 : memref<1x16384xi32, #tpu.memory_space<hbm>> -> memref<16384xi32, #tpu.memory_space<hbm>>
      tpu.enqueue_dma source(%arg6 : memref<16384xi32, #tpu.memory_space<vmem>>) target(%dma_start3A_17 : memref<16384xi32, #tpu.memory_space<hbm>>) target_semaphore(%run_scoped3A : memref<!tpu.dma_semaphore, #tpu.memory_space<semaphore_mem>>)
      %dma_wait3A_18 = arith.constant 0 : i32
      %dma_wait3A_19 = tpu.memref_slice %arg4[%add3A, %dma_wait3A_18] : memref<32x16384xi32, #tpu.memory_space<hbm>> -> memref<1x16384xi32, #tpu.memory_space<hbm>>
      %dma_wait3A_20 = tpu.memref_squeeze %dma_wait3A_19 : memref<1x16384xi32, #tpu.memory_space<hbm>> -> memref<16384xi32, #tpu.memory_space<hbm>>
      %dma_wait3A_21 = arith.constant 0 : i32
      %dma_wait3A_22 = tpu.memref_slice %arg4[%add3A, %dma_wait3A_21] : memref<32x16384xi32, #tpu.memory_space<hbm>> -> memref<1x16384xi32, #tpu.memory_space<hbm>>
      %dma_wait3A_23 = tpu.memref_squeeze %dma_wait3A_22 : memref<1x16384xi32, #tpu.memory_space<hbm>> -> memref<16384xi32, #tpu.memory_space<hbm>>
      tpu.wait_dma2 semaphore(%run_scoped3A : memref<!tpu.dma_semaphore, #tpu.memory_space<semaphore_mem>>) src(%arg6 : memref<16384xi32, #tpu.memory_space<vmem>>) dst(%dma_wait3A_23 : memref<16384xi32, #tpu.memory_space<hbm>>)
      tpu.yield
    }) : () -> ()
    return
  }
}

module attributes {stable_mosaic.version = 14 : i64} {
  func.func @_merge_select_kernel(%arg0: i32, %arg1: memref<32x16384xi32, #tpu.memory_space<vmem>>, %arg2: memref<4096x128xi32, #tpu.memory_space<vmem>>, %arg3: memref<1x1xf32, #tpu.memory_space<smem>>, %arg4: memref<2xi32, #tpu.memory_space<smem>>, %arg5: memref<2xf32, #tpu.memory_space<smem>>) attributes {dimension_semantics = [#tpu.dimension_semantics<arbitrary>], iteration_bounds = array<i64: 3>, scalar_prefetch = 0 : i64, scratch_operands = 2 : i64, tpu.core_type = #tpu.core_type<tc>, window_params = [{pipeline_mode = #tpu.pipeline_mode<synchronous>, transform_indices = @transform_0, window_bounds = array<i64: 32, 16384>}, {transform_indices = @transform_1, window_bounds = array<i64: 4096, 128>}, {transform_indices = @transform_2, window_bounds = array<i64: 1, 1>}]} {
    %eq3A = arith.constant 0 : i32
    %eq3A_0 = arith.cmpi eq, %arg0, %eq3A : i32
    %convert_element_type3A = arith.extui %eq3A_0 : i1 to i32
    %cond3A = arith.constant 0 : i32
    %cond3A_1 = arith.cmpi ne, %convert_element_type3A, %cond3A : i32
    scf.if %cond3A_1 {
      %get3A = arith.constant 0 : index
      %get3A_11 = arith.constant 0 : index
      %get3A_12 = vector.load %arg1[%get3A, %get3A_11] : memref<32x16384xi32, #tpu.memory_space<vmem>>, vector<32x16384xi32>
      %reduce_sum3A = arith.constant dense<0> : vector<16384xi32>
      %reduce_sum3A_13 = vector.multi_reduction <add>, %get3A_12, %reduce_sum3A [0] : vector<32x16384xi32> to vector<16384xi32>
      %broadcast_in_dim3A = vector.shape_cast %reduce_sum3A_13 : vector<16384xi32> to vector<1x16384xi32>
      %convert_element_type3A_14 = arith.sitofp %broadcast_in_dim3A : vector<1x16384xi32> to vector<1x16384xf32>
      %iota3A = tpu.iota {dimensions = array<i32: 1>} : vector<1x16384xi32>
      %scan3A = arith.constant 7.340030e+05 : f32
      %scan3A_15 = arith.constant 0 : i32
      %scan3A_16 = arith.constant 0 : i32
      %scan3A_17 = arith.constant 14 : i32
      %scan3A_18 = arith.addi %scan3A_16, %scan3A_17 : i32
      %scan3A_19 = arith.constant 1 : i32
      %scan3A_20 = scf.for %scan3A_36 = %scan3A_16 to %scan3A_18 step %scan3A_19 iter_args(%scan3A_37 = %scan3A_15) -> (i32)  : i32 {
        %sub3A = arith.constant 13 : i32
        %sub3A_38 = arith.subi %sub3A, %scan3A_36 : i32
        %shift_left3A_39 = arith.constant 1 : i32
        %shift_left3A_40 = arith.shli %shift_left3A_39, %sub3A_38 : i32
        %or3A_41 = arith.ori %scan3A_37, %shift_left3A_40 : i32
        %ge3A = vector.broadcast %or3A_41 : i32 to vector<1x16384xi32>
        %ge3A_42 = arith.cmpi sge, %iota3A, %ge3A : vector<1x16384xi32>
        %jit3A = arith.constant 0.000000e+00 : f32
        %broadcast_in_dim3A_43 = vector.broadcast %jit3A : f32 to vector<1x16384xf32>
        %select_n3A = arith.select %ge3A_42, %convert_element_type3A_14, %broadcast_in_dim3A_43 : vector<1x16384xi1>, vector<1x16384xf32>
        %reduce_sum3A_44 = vector.shape_cast %select_n3A : vector<1x16384xf32> to vector<1x1x16384xf32>
        %reduce_sum3A_45 = arith.constant dense<0.000000e+00> : vector<1xf32>
        %reduce_sum3A_46 = vector.multi_reduction <add>, %reduce_sum3A_44, %reduce_sum3A_45 [1, 2] : vector<1x1x16384xf32> to vector<1xf32>
        %reduce_sum3A_47 = vector.shape_cast %reduce_sum3A_46 : vector<1xf32> to vector<1x1x1xf32>
        %reduce_sum3A_48 = vector.extract %reduce_sum3A_47[0, 0, 0] : f32 from vector<1x1x1xf32>
        %ge3A_49 = arith.cmpf oge, %reduce_sum3A_48, %scan3A : f32
        %select_n3A_50 = arith.select %ge3A_49, %or3A_41, %scan3A_37 : i32
        scf.yield %select_n3A_50 : i32
      }
      %scan3A_21 = arith.constant 14 : i32
      %add3A = arith.constant 1 : i32
      %add3A_22 = arith.addi %scan3A_20, %add3A : i32
      %shift_left3A = arith.constant 17 : i32
      %shift_left3A_23 = arith.shli %add3A_22, %shift_left3A : i32
      %swap3A = arith.constant 0 : index
      %swap3A_24 = memref.load %arg4[%swap3A] : memref<2xi32, #tpu.memory_space<smem>>
      memref.store %shift_left3A_23, %arg4[%swap3A] : memref<2xi32, #tpu.memory_space<smem>>
      %swap3A_25 = arith.constant 0 : i32
      %swap3A_26 = arith.constant 1 : index
      %swap3A_27 = memref.load %arg4[%swap3A_26] : memref<2xi32, #tpu.memory_space<smem>>
      memref.store %swap3A_25, %arg4[%swap3A_26] : memref<2xi32, #tpu.memory_space<smem>>
      %shift_left3A_28 = arith.constant 17 : i32
      %shift_left3A_29 = arith.shli %scan3A_20, %shift_left3A_28 : i32
      %or3A = arith.constant 65536 : i32
      %or3A_30 = arith.ori %shift_left3A_29, %or3A : i32
      %bitcast_convert_type3A = arith.bitcast %or3A_30 : i32 to f32
      %swap3A_31 = arith.constant 0 : index
      %swap3A_32 = memref.load %arg5[%swap3A_31] : memref<2xf32, #tpu.memory_space<smem>>
      memref.store %bitcast_convert_type3A, %arg5[%swap3A_31] : memref<2xf32, #tpu.memory_space<smem>>
      %swap3A_33 = arith.constant 0.000000e+00 : f32
      %swap3A_34 = arith.constant 1 : index
      %swap3A_35 = memref.load %arg5[%swap3A_34] : memref<2xf32, #tpu.memory_space<smem>>
      memref.store %swap3A_33, %arg5[%swap3A_34] : memref<2xf32, #tpu.memory_space<smem>>
    } else {
    }
    %gt3A = arith.constant 0 : i32
    %gt3A_2 = arith.cmpi sgt, %arg0, %gt3A : i32
    %convert_element_type3A_3 = arith.extui %gt3A_2 : i1 to i32
    %cond3A_4 = arith.constant 0 : i32
    %cond3A_5 = arith.cmpi ne, %convert_element_type3A_3, %cond3A_4 : i32
    scf.if %cond3A_5 {
      %get3A = arith.constant 0 : index
      %get3A_11 = arith.constant 0 : index
      %get3A_12 = vector.load %arg2[%get3A, %get3A_11] : memref<4096x128xi32, #tpu.memory_space<vmem>>, vector<4096x128xi32>
      %get3A_13 = arith.constant 0 : index
      %get3A_14 = memref.load %arg4[%get3A_13] : memref<2xi32, #tpu.memory_space<smem>>
      %ge3A = vector.broadcast %get3A_14 : i32 to vector<4096x128xi32>
      %ge3A_15 = arith.cmpi sge, %get3A_12, %ge3A : vector<4096x128xi32>
      %bitcast_convert_type3A = tpu.bitcast %get3A_12 : vector<4096x128xi32> -> vector<4096x128xf32>
      %get3A_16 = arith.constant 1 : index
      %get3A_17 = memref.load %arg5[%get3A_16] : memref<2xf32, #tpu.memory_space<smem>>
      %jit3A = arith.constant 0.000000e+00 : f32
      %broadcast_in_dim3A = vector.broadcast %jit3A : f32 to vector<4096x128xf32>
      %select_n3A = arith.select %ge3A_15, %bitcast_convert_type3A, %broadcast_in_dim3A : vector<4096x128xi1>, vector<4096x128xf32>
      %reduce_sum3A = vector.shape_cast %select_n3A : vector<4096x128xf32> to vector<1x4096x128xf32>
      %reduce_sum3A_18 = arith.constant dense<0.000000e+00> : vector<1xf32>
      %reduce_sum3A_19 = vector.multi_reduction <add>, %reduce_sum3A, %reduce_sum3A_18 [1, 2] : vector<1x4096x128xf32> to vector<1xf32>
      %reduce_sum3A_20 = vector.shape_cast %reduce_sum3A_19 : vector<1xf32> to vector<1x1x1xf32>
      %reduce_sum3A_21 = vector.extract %reduce_sum3A_20[0, 0, 0] : f32 from vector<1x1x1xf32>
      %add3A = arith.addf %get3A_17, %reduce_sum3A_21 : f32
      %swap3A = arith.constant 1 : index
      %swap3A_22 = memref.load %arg5[%swap3A] : memref<2xf32, #tpu.memory_space<smem>>
      memref.store %add3A, %arg5[%swap3A] : memref<2xf32, #tpu.memory_space<smem>>
      %get3A_23 = arith.constant 1 : index
      %get3A_24 = memref.load %arg4[%get3A_23] : memref<2xi32, #tpu.memory_space<smem>>
      %convert_element_type3A_25 = arith.extui %ge3A_15 : vector<4096x128xi1> to vector<4096x128xi32>
      %reduce_sum3A_26 = vector.shape_cast %convert_element_type3A_25 : vector<4096x128xi32> to vector<1x4096x128xi32>
      %reduce_sum3A_27 = arith.constant dense<0> : vector<1xi32>
      %reduce_sum3A_28 = vector.multi_reduction <add>, %reduce_sum3A_26, %reduce_sum3A_27 [1, 2] : vector<1x4096x128xi32> to vector<1xi32>
      %reduce_sum3A_29 = vector.shape_cast %reduce_sum3A_28 : vector<1xi32> to vector<1x1x1xi32>
      %reduce_sum3A_30 = vector.extract %reduce_sum3A_29[0, 0, 0] : i32 from vector<1x1x1xi32>
      %add3A_31 = arith.addi %get3A_24, %reduce_sum3A_30 : i32
      %swap3A_32 = arith.constant 1 : index
      %swap3A_33 = memref.load %arg4[%swap3A_32] : memref<2xi32, #tpu.memory_space<smem>>
      memref.store %add3A_31, %arg4[%swap3A_32] : memref<2xi32, #tpu.memory_space<smem>>
    } else {
    }
    %eq3A_6 = arith.constant 2 : i32
    %eq3A_7 = arith.cmpi eq, %arg0, %eq3A_6 : i32
    %convert_element_type3A_8 = arith.extui %eq3A_7 : i1 to i32
    %cond3A_9 = arith.constant 0 : i32
    %cond3A_10 = arith.cmpi ne, %convert_element_type3A_8, %cond3A_9 : i32
    scf.if %cond3A_10 {
      %get3A = arith.constant 1 : index
      %get3A_11 = memref.load %arg4[%get3A] : memref<2xi32, #tpu.memory_space<smem>>
      %sub3A = arith.constant 734003 : i32
      %sub3A_12 = arith.subi %sub3A, %get3A_11 : i32
      %convert_element_type3A_13 = arith.sitofp %sub3A_12 : i32 to f32
      %get3A_14 = arith.constant 1 : index
      %get3A_15 = memref.load %arg5[%get3A_14] : memref<2xf32, #tpu.memory_space<smem>>
      %get3A_16 = arith.constant 0 : index
      %get3A_17 = memref.load %arg5[%get3A_16] : memref<2xf32, #tpu.memory_space<smem>>
      %mul3A = arith.mulf %convert_element_type3A_13, %get3A_17 : f32
      %add3A = arith.addf %get3A_15, %mul3A : f32
      %div3A = arith.constant 7.340030e+05 : f32
      %div3A_18 = arith.divf %add3A, %div3A : f32
      %swap3A = arith.constant 0 : index
      %swap3A_19 = arith.constant 0 : index
      %swap3A_20 = memref.load %arg3[%swap3A, %swap3A_19] : memref<1x1xf32, #tpu.memory_space<smem>>
      memref.store %div3A_18, %arg3[%swap3A, %swap3A_19] : memref<1x1xf32, #tpu.memory_space<smem>>
    } else {
    }
    return
  }
  func.func @transform_0(%arg0: i32) -> (i32, i32) {
    %c0_i32 = arith.constant 0 : i32
    %c0_i32_0 = arith.constant 0 : i32
    %c0_i32_1 = arith.constant 0 : i32
    return %c0_i32, %c0_i32_0 : i32, i32
  }
  func.func @transform_1(%arg0: i32) -> (i32, i32) {
    %sub3A = arith.constant 1 : i32
    %sub3A_0 = arith.subi %arg0, %sub3A : i32
    %max3A = arith.constant 0 : i32
    %max3A_1 = arith.maxsi %sub3A_0, %max3A : i32
    %c0_i32 = arith.constant 0 : i32
    %c0_i32_2 = arith.constant 0 : i32
    return %max3A_1, %c0_i32 : i32, i32
  }
  func.func @transform_2(%arg0: i32) -> (i32, i32) {
    %c0_i32 = arith.constant 0 : i32
    %c0_i32_0 = arith.constant 0 : i32
    %c0_i32_1 = arith.constant 0 : i32
    return %c0_i32, %c0_i32_0 : i32, i32
  }
}

module attributes {stable_mosaic.version = 14 : i64} {
  func.func @_loss_bits_kernel(%arg0: i32, %arg1: memref<2x4096x128xf32, #tpu.memory_space<vmem>>, %arg2: memref<4096x128xi32, #tpu.memory_space<vmem>>, %arg3: memref<4096x128xi32, #tpu.memory_space<vmem>>) attributes {dimension_semantics = [#tpu.dimension_semantics<arbitrary>], iteration_bounds = array<i64: 2>, scalar_prefetch = 0 : i64, scratch_operands = 0 : i64, tpu.core_type = #tpu.core_type<tc>, window_params = [{transform_indices = @transform_0, window_bounds = array<i64: 2, 4096, 128>}, {transform_indices = @transform_1, window_bounds = array<i64: 4096, 128>}, {transform_indices = @transform_2, window_bounds = array<i64: 4096, 128>}]} {
    %get3A = arith.constant 0 : index
    %get3A_0 = arith.constant 0 : index
    %get3A_1 = arith.constant 0 : index
    %get3A_2 = vector.load %arg1[%get3A, %get3A_0, %get3A_1] : memref<2x4096x128xf32, #tpu.memory_space<vmem>>, vector<1x4096x128xf32>
    %get3A_3 = vector.shape_cast %get3A_2 : vector<1x4096x128xf32> to vector<4096x128xf32>
    %get3A_4 = arith.constant 1 : index
    %get3A_5 = arith.constant 0 : index
    %get3A_6 = arith.constant 0 : index
    %get3A_7 = vector.load %arg1[%get3A_4, %get3A_5, %get3A_6] : memref<2x4096x128xf32, #tpu.memory_space<vmem>>, vector<1x4096x128xf32>
    %get3A_8 = vector.shape_cast %get3A_7 : vector<1x4096x128xf32> to vector<4096x128xf32>
    %get3A_9 = arith.constant 0 : index
    %get3A_10 = arith.constant 0 : index
    %get3A_11 = vector.load %arg2[%get3A_9, %get3A_10] : memref<4096x128xi32, #tpu.memory_space<vmem>>, vector<4096x128xi32>
    %sub3A = arith.subf %get3A_8, %get3A_3 : vector<4096x128xf32>
    %eq3A = arith.constant 0 : i32
    %eq3A_12 = vector.broadcast %eq3A : i32 to vector<4096x128xi32>
    %eq3A_13 = arith.cmpi eq, %get3A_11, %eq3A_12 : vector<4096x128xi32>
    %neg3A = arith.constant 0.000000e+00 : f32
    %neg3A_14 = vector.broadcast %neg3A : f32 to vector<4096x128xf32>
    %neg3A_15 = arith.subf %neg3A_14, %sub3A : vector<4096x128xf32>
    %select_n3A = arith.select %eq3A_13, %sub3A, %neg3A_15 : vector<4096x128xi1>, vector<4096x128xf32>
    %max3A = arith.constant 0.000000e+00 : f32
    %max3A_16 = vector.broadcast %max3A : f32 to vector<4096x128xf32>
    %max3A_17 = arith.maximumf %select_n3A, %max3A_16 : vector<4096x128xf32>
    %abs3A = math.absf %select_n3A : vector<4096x128xf32>
    %neg3A_18 = arith.constant 0.000000e+00 : f32
    %neg3A_19 = vector.broadcast %neg3A_18 : f32 to vector<4096x128xf32>
    %neg3A_20 = arith.subf %neg3A_19, %abs3A : vector<4096x128xf32>
    %exp3A = math.exp %neg3A_20 : vector<4096x128xf32>
    %log1p3A = math.log1p %exp3A : vector<4096x128xf32>
    %add3A = arith.addf %max3A_17, %log1p3A : vector<4096x128xf32>
    %lt3A = arith.constant 0 : i32
    %lt3A_21 = vector.broadcast %lt3A : i32 to vector<4096x128xi32>
    %lt3A_22 = arith.cmpi slt, %get3A_11, %lt3A_21 : vector<4096x128xi32>
    %jit3A = arith.constant 0.000000e+00 : f32
    %broadcast_in_dim3A = vector.broadcast %jit3A : f32 to vector<4096x128xf32>
    %select_n3A_23 = arith.select %lt3A_22, %broadcast_in_dim3A, %add3A : vector<4096x128xi1>, vector<4096x128xf32>
    %bitcast_convert_type3A = tpu.bitcast %select_n3A_23 : vector<4096x128xf32> -> vector<4096x128xi32>
    %swap3A = arith.constant 0 : index
    %swap3A_24 = arith.constant 0 : index
    %swap3A_25 = vector.load %arg3[%swap3A, %swap3A_24] : memref<4096x128xi32, #tpu.memory_space<vmem>>, vector<4096x128xi32>
    tpu.vector_store %arg3[%swap3A, %swap3A_24], %bitcast_convert_type3A {strides = array<i32>} : memref<4096x128xi32, #tpu.memory_space<vmem>>, vector<4096x128xi32>,
    return
  }
  func.func @transform_0(%arg0: i32) -> (i32, i32, i32) {
    %c0_i32 = arith.constant 0 : i32
    %c0_i32_0 = arith.constant 0 : i32
    %c0_i32_1 = arith.constant 0 : i32
    return %c0_i32, %arg0, %c0_i32_0 : i32, i32, i32
  }
  func.func @transform_1(%arg0: i32) -> (i32, i32) {
    %c0_i32 = arith.constant 0 : i32
    %c0_i32_0 = arith.constant 0 : i32
    return %arg0, %c0_i32 : i32, i32
  }
  func.func @transform_2(%arg0: i32) -> (i32, i32) {
    %c0_i32 = arith.constant 0 : i32
    %c0_i32_0 = arith.constant 0 : i32
    return %arg0, %c0_i32 : i32, i32
  }
}

</mosaic_0001>

<sc_bundles>
// kernel: kernel.5.cloned.1.call-start
scs
__scs_entry_jumppad:
0x0: {  	(pc) =	sbr.rel $0x88, $3  }
0x1: {  	(tag) =	ssettag $0x0;
	lr =	simm.s32 $0x1  }
0x2: {  	[smem:$0x3F9F] =	sst lr;
	_ =	strace $0xD0000000  }
0x3: {  	_ = 	snop  }
0x4: {  	_ = 	snop  }
0x5: {  	_ = 	snop  }
0x6: {  	_ = 	snop  }
0x7: {  	_ = 	snop  }
__scs_overlays_trampoline_lowered:
0x8: {  	[smem:$0x3FAE] =	sst s0  }
0x9: {  	[smem:$0x3FAF] =	sst s1  }
0xa: {  	[smem:$0x3FB0] =	sst s2  }
0xb: {  	[smem:$0x3FB1] =	sst s3  }
0xc: {  	[smem:$0x3FB2] =	sst s4  }
0xd: {  	[smem:$0x3FB3] =	sst s5  }
0xe: {  	[smem:$0x3FB4] =	sst s6  }
0xf: {  	[smem:$0x3FB5] =	sst s7  }
0x10: {  	[smem:$0x3FB6] =	sst s8  }
0x11: {  	[smem:$0x3FB7] =	sst s9;
	s0 =	simm.s32 @!p0 $0x0  }
0x12: {  	s1 =	sld [smem:$0x3F9D];
	s0 =	simm.s32 @p0 $0x1  }
0x13: {  	[smem:$0x3FB8] =	sst s0;
	s0 =	simm.s32 @!p1 $0x0  }
0x14: {  	s2 =	sld [smem:$0x3F9C];
	s0 =	simm.s32 @p1 $0x1  }
0x15: {  	[smem:$0x3FB9] =	sst s0;
	s0 =	simm.s32 @!p2 $0x0  }
0x16: {  	s3 =	sld [smem:$0x3FDB];
	s0 =	simm.s32 @p2 $0x1  }
0x17: {  	s4 =	simm.s32 $0x1BF5;
	[smem:$0x3FBB] =	sst s0  }
0x18: {  	s0 =	sld [smem:$0x3F9E];
	_ =	swait.ge [sflag:s4], $0x0  }
0x19: {  	s7 =	sld [smem:$0x3F9F]  }
0x1a: {  	s8 =	sadd.s32 $0xFFFFE003, lr  }
0x1b: {  	s9 =	sadd.s32 $0xFFFFFEF7, lr;
	s5 =	simm.s32 $0xFFFFFFFF;
	p2 =	slt.u32 s8, $0xFFFFF086  }
0x1c: {  	p1 =	slt.u32 s9, $0xF7A;
	s5 =	simm.s32 @!p2 $0x0  }
0x1d: {  	s5 =	simm.s32 @p1 $0x1;
	p0 =	seq.s32 s7, s2  }
0x1e: {  	s7 =	smul.u32 @!p0 $0xF7A, s2;
	p2 =	seq.s32 @!p0 s5, $0x0  }
0x1f: {  	s9 =	smul.u32 $0xF7A, s1;
	s8 =	simm.s32 @!p0 $0x1BF5;
	p2 =	por !p2, p0  }
0x20: {  	[sflag:s8] =	ssyncset.s32 @!p0 $0xFFFFF086;
	s6 =	sadd.s32 @!p0 s3, s7;
	s7 =	simm.s32 @!p0 $0x108  }
0x21: {  	s3 =	sadd.s32 s3, s9;
	s6 =	sadd.s32 @!p0 $0x88, s6;
	s7 =	simm.s32 @p2 $0x1082  }
0x22: {  	[simem:s7], [sflag:s8] =	dma.local @!p0 [hbm:s6], $0xF7A  }
0x23: {  	s9 =	sor.u32 $0xD0000000, s2;
	s6 =	simm.s32 $0x108;
	_ =	swait.ge @!p0 [sflag:s8], $0x0  }
0x24: {  	s3 =	sadd.s32 $0x88, s3;
	s6 =	simm.s32 @!p1 $0x1082;
	[sflag:s4] =	ssyncset.s32 $0xFFFFF086  }
0x25: {  	[simem:s6], [sflag:s4] =	dma.local [hbm:s3], $0xF7A  }
0x26: {  	[smem:$0x3F9F] =	sst s1;
	(tag) =	ssettag s2;
	_ =	strace s9  }
0x27: {  	s1 =	sld [smem:$0x3FAF]  }
0x28: {  	s2 =	sld [smem:$0x3FB0]  }
0x29: {  	s4 =	sld [smem:$0x3FB2]  }
0x2a: {  	p0 =	seq.s32 s5, $0x0;
	s5 =	sld [smem:$0x3FB3]  }
0x2b: {  	s6 =	sld [smem:$0x3FB4]  }
0x2c: {  	s7 =	sld [smem:$0x3FB5]  }
0x2d: {  	s3 =	simm.s32 $0x108;
	s8 =	sld [smem:$0x3FB6]  }
0x2e: {  	s3 =	simm.s32 @!p0 $0x1082;
	s9 =	sld [smem:$0x3FB7]  }
0x2f: {  	lr =	sadd.s32 s0, s3;
	s0 =	sld [smem:$0x3FAE]  }
0x30: {  	s3 =	sld [smem:$0x3FB1]  }
0x31: {  	[smem:$0x3FBA] =	sst s10  }
0x32: {  	s10 =	sld [smem:$0x3FB8];
	_ =	sdelay $0x3  }
0x33: {  	p0 =	seq.s32 s10, $0x1;
	s10 =	sld [smem:$0x3FBA];
	_ =	sdelay $0x3  }
0x34: {  	[smem:$0x3FBA] =	sst s10  }
0x35: {  	s10 =	sld [smem:$0x3FB9];
	_ =	sdelay $0x3  }
0x36: {  	p1 =	seq.s32 s10, $0x1;
	s10 =	sld [smem:$0x3FBA];
	_ =	sdelay $0x3  }
0x37: {  	[smem:$0x3FBA] =	sst s10  }
0x38: {  	s10 =	sld [smem:$0x3FBB]  }
0x39: {  	_ = 	snop;
	(pc) =	sbr.ind lr, $3  }
0x3a: {  	_ = 	snop  }
0x3b: {  	_ = 	snop  }
0x3c: {  	p2 =	seq.s32 s10, $0x1;
	s10 =	sld [smem:$0x3FBA]  }
0x3d: {  	_ =	shalt  }
0x3e: {  	_ =	shalt  }
0x3f: {  	_ =	shalt  }
0x40: {  	_ =	shalt  }
0x41: {  	_ =	shalt  }
0x42: {  	_ =	shalt  }
0x43: {  	_ =	shalt  }
0x44: {  	_ =	shalt  }
0x45: {  	_ =	shalt  }
0x46: {  	_ =	shalt  }
0x47: {  	_ =	shalt  }
0x48: {  	_ =	shalt  }
0x49: {  	_ =	shalt  }
0x4a: {  	_ =	shalt  }
0x4b: {  	_ =	shalt  }
0x4c: {  	_ =	shalt  }
0x4d: {  	_ =	shalt  }
0x4e: {  	_ =	shalt  }
0x4f: {  	_ =	shalt  }
0x50: {  	_ =	shalt  }
0x51: {  	_ =	shalt  }
0x52: {  	_ =	shalt  }
0x53: {  	_ =	shalt  }
0x54: {  	_ =	shalt  }
0x55: {  	_ =	shalt  }
0x56: {  	_ =	shalt  }
0x57: {  	_ =	shalt  }
0x58: {  	_ =	shalt  }
0x59: {  	_ =	shalt  }
0x5a: {  	_ =	shalt  }
0x5b: {  	_ =	shalt  }
0x5c: {  	_ =	shalt  }
0x5d: {  	_ =	shalt  }
0x5e: {  	_ =	shalt  }
0x5f: {  	_ =	shalt  }
0x60: {  	_ =	shalt  }
0x61: {  	_ =	shalt  }
0x62: {  	_ =	shalt  }
0x63: {  	_ =	shalt  }
0x64: {  	_ =	shalt  }
0x65: {  	_ =	shalt  }
0x66: {  	_ =	shalt  }
0x67: {  	_ =	shalt  }
0x68: {  	_ =	shalt  }
0x69: {  	_ =	shalt  }
0x6a: {  	_ =	shalt  }
0x6b: {  	_ =	shalt  }
0x6c: {  	_ =	shalt  }
0x6d: {  	_ =	shalt  }
0x6e: {  	_ =	shalt  }
0x6f: {  	_ =	shalt  }
0x70: {  	_ =	shalt  }
0x71: {  	_ =	shalt  }
0x72: {  	_ =	shalt  }
0x73: {  	_ =	shalt  }
0x74: {  	_ =	shalt  }
0x75: {  	_ =	shalt  }
0x76: {  	_ =	shalt  }
0x77: {  	_ =	shalt  }
0x78: {  	_ =	shalt  }
0x79: {  	_ =	shalt  }
0x7a: {  	_ =	shalt  }
0x7b: {  	_ =	shalt  }
0x7c: {  	_ =	shalt  }
0x7d: {  	_ =	shalt  }
0x7e: {  	_ =	shalt  }
0x7f: {  	_ =	shalt  }
0x80: {  	_ =	shalt  }
0x81: {  	_ =	shalt  }
0x82: {  	_ =	shalt  }
0x83: {  	_ =	shalt  }
0x84: {  	_ =	shalt  }
0x85: {  	_ =	shalt  }
0x86: {  	_ =	shalt  }
0x87: {  	_ =	shalt  }
.Lfunc_end0:
.L_simem_size_0:
called_computation_lowered:
.L_overlay_start_0:
0x88: {  	s2 =	sld [smem:$0x3FD9]  }
0x89: {  	s3 =	sld [smem:$0x3FFE];
	_ =	sdelay $0x1  }
0x8a: {  	s1 =	srdreg.scid  }
0x8b: {  	s0 =	sand.u32 $0x1, s1  }
0x8c: {  	s16 =	sshll.u32 s0, $0xA;
	s2 =	sadd.s32 s3, s2  }
0x8d: {  	s2 =	sadd.s32 s2, s16  }
0x8e: {  	[smem:$0x3FC6] =	sst s2  }
0x8f: {  	_ = 	snop  }
0x90: {  	(tm) =	ssettm $0x1  }
0x91: {  	s17 =	sld [smem:$0x3FFB];
	_ =	sdelay $0x3  }
0x92: {  	_ =	strace s17  }
0x93: {  	s2 =	sld [smem:$0x3FFC];
	_ =	sdelay $0x3  }
0x94: {  	_ =	strace s2  }
0x95: {  	s2 =	sld [smem:$0x3FFD];
	_ =	sdelay $0x3  }
0x96: {  	_ =	strace s2  }
0x97: {  	_ =	strace $0x8FFFFFFF  }
0x98: {  	s18 =	sld [smem:$0x3FDB];
	_ =	sdelay $0x1  }
0x99: {  	s19 =	simm.s32 $_scs_section_size  }
0x9a: {  	s4 =	simm.s32 $_size__tile_overlayer_lowered;
	s5 =	simm.s32 $_tile_overlayer_lowered  }
0x9b: {  	s22 =	simm.s32 $0x1BFF;
	s21 =	sshll.u32 s5, $0x1;
	s2 =	sadd.s32 s19, s18  }
0x9c: {  	s6 =	simm.s32 $0x0;
	s20 =	sshll.u32 s4, $0x1;
	s4 =	sadd.s32 s21, s2  }
0x9d: {  	[timem:s6], [sflag:s22] =	dma.local [hbm:s4], s20  }
0x9e: {  	_ =	swait.ge [sflag:s22], s20  }
0x9f: {  	s3 =	ssub.s32 $0x0, s20;
	[sflag:s22] =	ssyncset.done $0x0  }
0xa0: {  	[sflag:s22] =	ssyncadd.s32 s3;
	_ =	sdelay $0x1  }
0xa1: {  	s23 =	simm.s32 $0x1B8B  }
0xa2: {  	_ =	swait.ge [sflag:s23], $0x1  }
0xa3: {  	[sflag:s23] =	ssyncset.done $0x0  }
0xa4: {  	s25 =	simm.s32 $0x1B8E;
	s24 =	sld [smem:$0x3FFE];
	[sflag:s23] =	ssyncadd.s32 $0xFFFFFFFF  }
0xa5: {  	s26 =	simm.s32 $execute0_lowered;
	[smem:$0x3FD2] =	sst s25  }
0xa6: {  	s4 =	sshll.u32 s26, $0x1;
	_ =	strace $0x80000046;
	[dreg:$0x1] =	wrdreg $0xFFFFFFFF  }
0xa7: {  	s28 =	simm.s32 $_size_execute0_lowered;
	s2 =	sadd.s32 s2, s4;
	[dreg:$0x0] =	wrdreg $0x0  }
0xa8: {  	s4 =	sshll.u32 s28, $0x1;
	[dreg:$0x2] =	wrdreg s2  }
0xa9: {  	[dreg:$0x3] =	wrdreg s4  }
0xaa: {  	[dreg:$0x4] =	wrdreg $0xC0  }
0xab: {  	_ =	task [dreg:s6], $0x5FFFF  }
0xac: {  	[dreg:$0x1] =	wrdreg $0xFFFFFFFF  }
0xad: {  	[dreg:$0x0] =	wrdreg $0x60  }
0xae: {  	[dreg:$0x2] =	wrdreg s24  }
0xaf: {  	[dreg:$0x3] =	wrdreg $0x9  }
0xb0: {  	_ =	task.clear_ibuf [dreg:s6], $0x4FFFF;
	_ =	strace $0x90000046  }
0xb1: {  	s29 =	simm.s32 $0x9;
	_ =	strace $0x80000048  }
0xb2: {  	_ =	swait.ge [sflag:s29], $0x1  }
0xb3: {  	[sflag:s29] =	ssyncadd.s32 $0xFFFFFFFF  }
0xb4: {  	_ =	strace $0x90000048  }
0xb5: {  	_ =	sfence  }
0xb6: {  	s30 =	sld [smem:$0x0];
	_ =	sdelay $0x2  }
0xb7: {  	s31 =	sshll.u32 s1, $0xD;
	s1 =	sshrl.u32 s1, $0x2  }
0xb8: {  	s3 =	sand.u32 $0x4000, s31;
	s1 =	sadd.s32 s1, s30  }
0xb9: {  	s0 =	sor.u32 s3, s0;
	s1 =	sshll.u32 s1, $0x11  }
0xba: {  	s0 =	sor.u32 s1, s0  }
0xbb: {  	s0 =	sadd.s32 $0x8F2B, s0  }
0xbc: {  	[sflag:s0] =	ssyncadd.remote.s32 $0x1  }
0xbd: {  	_ =	sfence.sel $0xFFFF  }
0xbe: {  	[dreg:$0x0] =	wrdreg $0xFFFFFFFF;
	(pc) =	sbr.abs _section_cstart, $3  }
0xbf: {  	[dreg:$0x1] =	wrdreg $0xFFFFFFFF  }
0xc0: {  	_ =	task.clear_ibuf [dreg:s6], $0x2FFFF;
	_ =	strace $0x9FFFFFFF  }
0xc1: {  	(tm) =	ssettm $0x7FFFFFFF  }
tec
execute0_lowered:
.L_overlay_start_1:
0x0: {  	(tag) =	ssettag $0x1  }
0x1: {  	s1 =	srdreg.scid  }
0x2: {  	s0 =	stileid.u32;
	s3 =	rddreg [dreg:$0x0];
	s2 =	simm.s32 $0x0  }
0x3: {  	s9 =	simm.s32 $0x1;
	s10 =	simm.s32 $0x80;
	s11 =	simm.s32 $0x400  }
0x4: {  	s12 =	simm.s32 $0x0;
	s4 =	sand.u32 $0x1, s1;
	s1 =	rddreg [dreg:$0x1]  }
0x5: {  	s5 =	sshll.u32 s0, $0x1;
	[smem:$0x7FF] =	sst s2;
	s7 =	sshll.u32 s0, $0xC  }
0x6: {  	s5 =	sor.u32 s4, s5;
	_ =	strace $0x80000047;
	s7 =	sand.u32 $0xC000, s7  }
0x7: {  	s4 =	ssub.s32 $0x2, s4;
	s6 =	sshll.u32 s5, $0xC;
	s5 =	sshll.u32 s5, $0x4  }
0x8: {  	s7 =	sadd.s32 s7, s3;
	s8 =	sshrl.u32 s4, $0x1;
	s6 =	sadd.s32 s6, s3  }
0x9: {  	s5 =	sand.u32 $0x70, s5;
	s3 =	sadd.s32 $0x20C00, s3;
	s8 =	ssub.s32 s4, s8  }
0xa: {  	s5 =	sadd.s32 s5, s7;
	s4 =	sadd.s32 $0xC00, s6;
	s6 =	smax.u32 s8, $0x1  }
0xb: {  	v0 =	vimm.s32 $0x1;
	s7 =	simm.s32 $0x8000;
	s8 =	simm.s32 $0x2;
	s5 =	sadd.s32 $0x21400, s5  }
.LBB2_1:
0xc: {  	[tilespmem:s2], [sflag:$0x1] =	stream.linear.gather [hbm4b:s4+s2], $0x8000, $0x38;
	[tilespmem:$0xC000] =	vst v63  }
0xd: {  	_ = 	snop  }
0xe: {  	[tilespmem:s7], [sflag:$0x2] =	stream.linear.gather [hbm4b:s3+s2], $0x4000, $0x38;
	[tilespmem:$0xC000] =	vst v63  }
0xf: {  	_ =	swait.ge [sflag:s8], $0x4000  }
0x10: {  	[sflag:s8] =	ssyncset.done $0x0  }
0x11: {  	[sflag:s8] =	ssyncadd.s32 $0xFFFFC000  }
0x12: {  	_ =	swait.ge [sflag:s9], $0x8000  }
0x13: {  	[sflag:s9] =	ssyncset.done $0x0  }
0x14: {  	s13 =	simm.s32 $0x200;
	[sflag:s9] =	ssyncadd.s32 $0xFFFF8000  }
0x15: {  	v1 =	vld [tilespmem:s13+$0x180]  }
0x16: {  	v2 =	vld [tilespmem:s13+$0xFFFFFE80]  }
0x17: {  	v3 =	vld [tilespmem:s13+$0xFFFFFF00]  }
0x18: {  	v4 =	vld [tilespmem:s13+$0xFFFFFF80];
	_ =	sdelay $0x1  }
0x19: {  	v6 =	vld [tilespmem:s13+$0x80];
	v1 =	vshrl.u32 v1, $0x11  }
0x1a: {  	v7 =	vld [tilespmem:s13+$0xFFFFFE00];
	v2 =	vshrl.u32 v2, $0x11  }
0x1b: {  	v3 =	vshrl.u32 v3, $0x11  }
0x1c: {  	v5 =	vld [tilespmem:s13+$0x0];
	v4 =	vshrl.u32 v4, $0x11  }
0x1d: {  	v8 =	vld [tilespmem:s13+$0x100]  }
0x1e: {  	v6 =	vshrl.u32 v6, $0x11;
	[tilespmem:v1+s7+$0x0] =	vst.idx.add.s32.msk $0xffff, v0  }
0x1f: {  	v7 =	vshrl.u32 v7, $0x11;
	[tilespmem:v2+s7+$0x0] =	vst.idx.add.s32.msk $0xffff, v0  }
0x20: {  	[tilespmem:v3+s7+$0x0] =	vst.idx.add.s32.msk $0xffff, v0  }
0x21: {  	[tilespmem:v4+s7+$0x0] =	vst.idx.add.s32.msk $0xffff, v0  }
0x22: {  	v1 =	vshrl.u32 v5, $0x11;
	v5 =	vld [tilespmem:s13+$0x190]  }
0x23: {  	[tilespmem:v6+s7+$0x0] =	vst.idx.add.s32.msk $0xffff, v0;
	v2 =	vshrl.u32 v8, $0x11  }
0x24: {  	[tilespmem:v7+s7+$0x0] =	vst.idx.add.s32.msk $0xffff, v0  }
0x25: {  	v3 =	vld [tilespmem:s13+$0xFFFFFE10]  }
0x26: {  	v4 =	vld [tilespmem:s13+$0xFFFFFE90]  }
0x27: {  	[tilespmem:v1+s7+$0x0] =	vst.idx.add.s32.msk $0xffff, v0;
	v1 =	vshrl.u32 v5, $0x11  }
0x28: {  	[tilespmem:v2+s7+$0x0] =	vst.idx.add.s32.msk $0xffff, v0  }
0x29: {  	v2 =	vld [tilespmem:s13+$0xFFFFFF10]  }
0x2a: {  	v5 =	vld [tilespmem:s13+$0xFFFFFF90]  }
0x2b: {  	v3 =	vshrl.u32 v3, $0x11;
	v6 =	vld [tilespmem:s13+$0x10]  }
0x2c: {  	v4 =	vshrl.u32 v4, $0x11;
	[tilespmem:v1+s7+$0x0] =	vst.idx.add.s32.msk $0xffff, v0  }
0x2d: {  	v1 =	vld [tilespmem:s13+$0x1A0];
	_ =	sdelay $0x1  }
0x2e: {  	v7 =	vld [tilespmem:s13+$0x90];
	v2 =	vshrl.u32 v2, $0x11  }
0x2f: {  	[tilespmem:v3+s7+$0x0] =	vst.idx.add.s32.msk $0xffff, v0;
	v3 =	vshrl.u32 v5, $0x11  }
0x30: {  	[tilespmem:v4+s7+$0x0] =	vst.idx.add.s32.msk $0xffff, v0;
	v4 =	vshrl.u32 v6, $0x11  }
0x31: {  	v58 =	vld [tilespmem:s13+$0x110];
	v1 =	vshrl.u32 v1, $0x11  }
0x32: {  	v5 =	vld [tilespmem:s13+$0xFFFFFE20]  }
0x33: {  	v6 =	vshrl.u32 v7, $0x11;
	[tilespmem:v2+s7+$0x0] =	vst.idx.add.s32.msk $0xffff, v0  }
0x34: {  	[tilespmem:v3+s7+$0x0] =	vst.idx.add.s32.msk $0xffff, v0  }
0x35: {  	[tilespmem:v4+s7+$0x0] =	vst.idx.add.s32.msk $0xffff, v0  }
0x36: {  	[tilespmem:v1+s7+$0x0] =	vst.idx.add.s32.msk $0xffff, v0  }
0x37: {  	v1 =	vshrl.u32 v58, $0x11;
	v7 =	vld [tilespmem:s13+$0x1B0]  }
0x38: {  	[tilespmem:v6+s7+$0x0] =	vst.idx.add.s32.msk $0xffff, v0  }
0x39: {  	v3 =	vld [tilespmem:s13+$0xFFFFFF20];
	v5 =	vshrl.u32 v5, $0x11  }
0x3a: {  	v4 =	vld [tilespmem:s13+$0xFFFFFFA0]  }
0x3b: {  	v6 =	vld [tilespmem:s13+$0x20]  }
0x3c: {  	[tilespmem:v1+s7+$0x0] =	vst.idx.add.s32.msk $0xffff, v0;
	v1 =	vshrl.u32 v7, $0x11  }
0x3d: {  	v2 =	vld [tilespmem:s13+$0xFFFFFEA0]  }
0x3e: {  	[tilespmem:v5+s7+$0x0] =	vst.idx.add.s32.msk $0xffff, v0  }
0x3f: {  	v3 =	vshrl.u32 v3, $0x11;
	v7 =	vld [tilespmem:s13+$0xA0]  }
0x40: {  	v4 =	vshrl.u32 v4, $0x11;
	v59 =	vld [tilespmem:s13+$0x120]  }
0x41: {  	v5 =	vshrl.u32 v6, $0x11;
	[tilespmem:v1+s7+$0x0] =	vst.idx.add.s32.msk $0xffff, v0  }
0x42: {  	v1 =	vshrl.u32 v2, $0x11;
	v2 =	vld [tilespmem:s13+$0x1C0]  }
0x43: {  	v6 =	vld [tilespmem:s13+$0xFFFFFE30]  }
0x44: {  	[tilespmem:v3+s7+$0x0] =	vst.idx.add.s32.msk $0xffff, v0  }
0x45: {  	[tilespmem:v4+s7+$0x0] =	vst.idx.add.s32.msk $0xffff, v0;
	v3 =	vshrl.u32 v59, $0x11  }
0x46: {  	[tilespmem:v5+s7+$0x0] =	vst.idx.add.s32.msk $0xffff, v0  }
0x47: {  	[tilespmem:v1+s7+$0x0] =	vst.idx.add.s32.msk $0xffff, v0;
	v1 =	vshrl.u32 v2, $0x11;
	v2 =	vshrl.u32 v7, $0x11  }
0x48: {  	v5 =	vld [tilespmem:s13+$0xFFFFFFB0]  }
0x49: {  	v4 =	vld [tilespmem:s13+$0xFFFFFEB0]  }
0x4a: {  	[tilespmem:v3+s7+$0x0] =	vst.idx.add.s32.msk $0xffff, v0  }
0x4b: {  	v3 =	vld [tilespmem:s13+$0xFFFFFF30]  }
0x4c: {  	[tilespmem:v2+s7+$0x0] =	vst.idx.add.s32.msk $0xffff, v0;
	v2 =	vshrl.u32 v6, $0x11  }
0x4d: {  	[tilespmem:v1+s7+$0x0] =	vst.idx.add.s32.msk $0xffff, v0  }
0x4e: {  	v4 =	vshrl.u32 v4, $0x11;
	v6 =	vld [tilespmem:s13+$0x30]  }
0x4f: {  	v1 =	vld [tilespmem:s13+$0x1D0];
	_ =	sdelay $0x1  }
0x50: {  	[tilespmem:v2+s7+$0x0] =	vst.idx.add.s32.msk $0xffff, v0;
	v2 =	vshrl.u32 v3, $0x11  }
0x51: {  	v60 =	vld [tilespmem:s13+$0x130];
	v3 =	vshrl.u32 v5, $0x11  }
0x52: {  	[tilespmem:v4+s7+$0x0] =	vst.idx.add.s32.msk $0xffff, v0;
	v4 =	vshrl.u32 v6, $0x11  }
0x53: {  	v7 =	vld [tilespmem:s13+$0xB0];
	v1 =	vshrl.u32 v1, $0x11  }
0x54: {  	v6 =	vld [tilespmem:s13+$0xFFFFFE40]  }
0x55: {  	[tilespmem:v2+s7+$0x0] =	vst.idx.add.s32.msk $0xffff, v0  }
0x56: {  	[tilespmem:v3+s7+$0x0] =	vst.idx.add.s32.msk $0xffff, v0;
	v2 =	vshrl.u32 v60, $0x11  }
0x57: {  	[tilespmem:v4+s7+$0x0] =	vst.idx.add.s32.msk $0xffff, v0  }
0x58: {  	[tilespmem:v1+s7+$0x0] =	vst.idx.add.s32.msk $0xffff, v0;
	v1 =	vshrl.u32 v7, $0x11  }
0x59: {  	v3 =	vld [tilespmem:s13+$0xFFFFFF40]  }
0x5a: {  	v5 =	vld [tilespmem:s13+$0x1E0]  }
0x5b: {  	[tilespmem:v2+s7+$0x0] =	vst.idx.add.s32.msk $0xffff, v0  }
0x5c: {  	v2 =	vld [tilespmem:s13+$0x40]  }
0x5d: {  	v6 =	vshrl.u32 v6, $0x11;
	[tilespmem:v1+s7+$0x0] =	vst.idx.add.s32.msk $0xffff, v0  }
0x5e: {  	v1 =	vld [tilespmem:s13+$0xFFFFFEC0]  }
0x5f: {  	v4 =	vshrl.u32 v5, $0x11;
	v5 =	vld [tilespmem:s13+$0xFFFFFFC0]  }
0x60: {  	v3 =	vshrl.u32 v3, $0x11  }
0x61: {  	v61 =	vld [tilespmem:s13+$0x140]  }
0x62: {  	[tilespmem:v6+s7+$0x0] =	vst.idx.add.s32.msk $0xffff, v0;
	v2 =	vshrl.u32 v2, $0x11  }
0x63: {  	v7 =	vld [tilespmem:s13+$0xC0];
	v1 =	vshrl.u32 v1, $0x11  }
0x64: {  	[tilespmem:v4+s7+$0x0] =	vst.idx.add.s32.msk $0xffff, v0;
	v4 =	vshrl.u32 v5, $0x11  }
0x65: {  	[tilespmem:v3+s7+$0x0] =	vst.idx.add.s32.msk $0xffff, v0  }
0x66: {  	v3 =	vshrl.u32 v61, $0x11;
	v5 =	vld [tilespmem:s13+$0xFFFFFE50]  }
0x67: {  	[tilespmem:v2+s7+$0x0] =	vst.idx.add.s32.msk $0xffff, v0  }
0x68: {  	[tilespmem:v1+s7+$0x0] =	vst.idx.add.s32.msk $0xffff, v0  }
0x69: {  	[tilespmem:v4+s7+$0x0] =	vst.idx.add.s32.msk $0xffff, v0  }
0x6a: {  	v1 =	vshrl.u32 v7, $0x11;
	v4 =	vld [tilespmem:s13+$0xFFFFFED0]  }
0x6b: {  	[tilespmem:v3+s7+$0x0] =	vst.idx.add.s32.msk $0xffff, v0  }
0x6c: {  	v7 =	vld [tilespmem:s13+$0x150]  }
0x6d: {  	v2 =	vshrl.u32 v5, $0x11;
	v5 =	vld [tilespmem:s13+$0x50]  }
0x6e: {  	v3 =	vld [tilespmem:s13+$0xFFFFFFD0]  }
0x6f: {  	[tilespmem:v1+s7+$0x0] =	vst.idx.add.s32.msk $0xffff, v0;
	v4 =	vshrl.u32 v4, $0x11  }
0x70: {  	v1 =	vld [tilespmem:s13+$0xFFFFFF50]  }
0x71: {  	v6 =	vld [tilespmem:s13+$0xD0];
	v7 =	vshrl.u32 v7, $0x11  }
0x72: {  	v62 =	vld [tilespmem:s13+$0x1F0]  }
0x73: {  	[tilespmem:v2+s7+$0x0] =	vst.idx.add.s32.msk $0xffff, v0;
	v2 =	vshrl.u32 v3, $0x11  }
0x74: {  	v3 =	vshrl.u32 v5, $0x11;
	[tilespmem:v4+s7+$0x0] =	vst.idx.add.s32.msk $0xffff, v0  }
0x75: {  	v1 =	vshrl.u32 v1, $0x11;
	v4 =	vld [tilespmem:s13+$0xFFFFFE60]  }
0x76: {  	v5 =	vshrl.u32 v6, $0x11;
	[tilespmem:v7+s7+$0x0] =	vst.idx.add.s32.msk $0xffff, v0  }
0x77: {  	v6 =	vld [tilespmem:s13+$0xFFFFFEE0]  }
0x78: {  	[tilespmem:v2+s7+$0x0] =	vst.idx.add.s32.msk $0xffff, v0  }
0x79: {  	[tilespmem:v3+s7+$0x0] =	vst.idx.add.s32.msk $0xffff, v0  }
0x7a: {  	[tilespmem:v1+s7+$0x0] =	vst.idx.add.s32.msk $0xffff, v0  }
0x7b: {  	[tilespmem:v5+s7+$0x0] =	vst.idx.add.s32.msk $0xffff, v0  }
0x7c: {  	v1 =	vshrl.u32 v62, $0x11;
	v2 =	vld [tilespmem:s13+$0xFFFFFF60]  }
0x7d: {  	v3 =	vshrl.u32 v4, $0x11;
	v4 =	vld [tilespmem:s13+$0xFFFFFFE0]  }
0x7e: {  	v5 =	vshrl.u32 v6, $0x11;
	v6 =	vld [tilespmem:s13+$0x60]  }
0x7f: {  	v7 =	vld [tilespmem:s13+$0xE0]  }
0x80: {  	v63 =	vld [tilespmem:s13+$0x160]  }
0x81: {  	[tilespmem:v1+s7+$0x0] =	vst.idx.add.s32.msk $0xffff, v0;
	v1 =	vshrl.u32 v2, $0x11  }
0x82: {  	[tilespmem:v3+s7+$0x0] =	vst.idx.add.s32.msk $0xffff, v0;
	v2 =	vshrl.u32 v4, $0x11  }
0x83: {  	[tilespmem:v5+s7+$0x0] =	vst.idx.add.s32.msk $0xffff, v0;
	v3 =	vshrl.u32 v6, $0x11  }
0x84: {  	v4 =	vld [tilespmem:s13+$0xFFFFFE70];
	v5 =	vshrl.u32 v7, $0x11  }
0x85: {  	v7 =	vshrl.u32 v63, $0x11;
	v6 =	vld [tilespmem:s13+$0xFFFFFEF0]  }
0x86: {  	[tilespmem:v1+s7+$0x0] =	vst.idx.add.s32.msk $0xffff, v0  }
0x87: {  	[tilespmem:v2+s7+$0x0] =	vst.idx.add.s32.msk $0xffff, v0  }
0x88: {  	[tilespmem:v3+s7+$0x0] =	vst.idx.add.s32.msk $0xffff, v0  }
0x89: {  	[tilespmem:v5+s7+$0x0] =	vst.idx.add.s32.msk $0xffff, v0  }
0x8a: {  	[tilespmem:v7+s7+$0x0] =	vst.idx.add.s32.msk $0xffff, v0  }
0x8b: {  	v3 =	vshrl.u32 v4, $0x11;
	v4 =	vld [tilespmem:s13+$0xFFFFFF70]  }
0x8c: {  	v7 =	vld [tilespmem:s13+$0xFFFFFFF0];
	v6 =	vshrl.u32 v6, $0x11  }
0x8d: {  	v5 =	vld [tilespmem:s13+$0x70]  }
0x8e: {  	v2 =	vld [tilespmem:s13+$0xF0]  }
0x8f: {  	v1 =	vld [tilespmem:s13+$0x170]  }
0x90: {  	[tilespmem:v3+s7+$0x0] =	vst.idx.add.s32.msk $0xffff, v0  }
0x91: {  	s14 =	simm.s32 $0x600;
	s13 =	simm.s32 $0x0;
	v3 =	vshrl.u32 v4, $0x11;
	v4 =	vshrl.u32 v7, $0x11;
	[tilespmem:v6+s7+$0x0] =	vst.idx.add.s32.msk $0xffff, v0  }
.LBB2_2:
0x92: {  	v6 =	vld [tilespmem:s14+$0x180];
	s13 =	sadd.s32 $0x8, s13;
	v5 =	vshrl.u32 v5, $0x11  }
0x93: {  	v7 =	vld [tilespmem:s14+$0xFFFFFE80];
	p0 =	slt.u32 s13, $0xF8;
	v2 =	vshrl.u32 v2, $0x11  }
0x94: {  	v8 =	vld [tilespmem:s14+$0xFFFFFF00];
	v1 =	vshrl.u32 v1, $0x11  }
0x95: {  	v9 =	vld [tilespmem:s14+$0xFFFFFF80]  }
0x96: {  	v10 =	vld [tilespmem:s14+$0x0]  }
0x97: {  	v11 =	vld [tilespmem:s14+$0x80];
	v6 =	vshrl.u32 v6, $0x11  }
0x98: {  	v7 =	vshrl.u32 v7, $0x11;
	v12 =	vld [tilespmem:s14+$0x100]  }
0x99: {  	v13 =	vld [tilespmem:s14+$0xFFFFFE00];
	v8 =	vshrl.u32 v8, $0x11  }
0x9a: {  	v9 =	vshrl.u32 v9, $0x11;
	[tilespmem:v3+s7+$0x0] =	vst.idx.add.s32.msk $0xffff, v0  }
0x9b: {  	v3 =	vshrl.u32 v10, $0x11;
	[tilespmem:v4+s7+$0x0] =	vst.idx.add.s32.msk $0xffff, v0  }
0x9c: {  	v4 =	vshrl.u32 v11, $0x11;
	[tilespmem:v6+s7+$0x0] =	vst.idx.add.s32.msk $0xffff, v0  }
0x9d: {  	v6 =	vshrl.u32 v12, $0x11;
	v10 =	vld [tilespmem:s14+$0x190]  }
0x9e: {  	v11 =	vshrl.u32 v13, $0x11;
	[tilespmem:v7+s7+$0x0] =	vst.idx.add.s32.msk $0xffff, v0  }
0x9f: {  	[tilespmem:v8+s7+$0x0] =	vst.idx.add.s32.msk $0xffff, v0  }
0xa0: {  	[tilespmem:v9+s7+$0x0] =	vst.idx.add.s32.msk $0xffff, v0  }
0xa1: {  	[tilespmem:v3+s7+$0x0] =	vst.idx.add.s32.msk $0xffff, v0  }
0xa2: {  	[tilespmem:v4+s7+$0x0] =	vst.idx.add.s32.msk $0xffff, v0;
	v3 =	vshrl.u32 v10, $0x11  }
0xa3: {  	[tilespmem:v11+s7+$0x0] =	vst.idx.add.s32.msk $0xffff, v0  }
0xa4: {  	[tilespmem:v6+s7+$0x0] =	vst.idx.add.s32.msk $0xffff, v0  }
0xa5: {  	v4 =	vld [tilespmem:s14+$0xFFFFFE10]  }
0xa6: {  	v6 =	vld [tilespmem:s14+$0xFFFFFE90]  }
0xa7: {  	[tilespmem:v3+s7+$0x0] =	vst.idx.add.s32.msk $0xffff, v0  }
0xa8: {  	v3 =	vld [tilespmem:s14+$0x1A0]  }
0xa9: {  	v7 =	vld [tilespmem:s14+$0xFFFFFF10]  }
0xaa: {  	v4 =	vshrl.u32 v4, $0x11;
	v8 =	vld [tilespmem:s14+$0xFFFFFF90]  }
0xab: {  	v6 =	vshrl.u32 v6, $0x11;
	v9 =	vld [tilespmem:s14+$0x10]  }
0xac: {  	v10 =	vld [tilespmem:s14+$0x90]  }
0xad: {  	v11 =	vld [tilespmem:s14+$0x110];
	v3 =	vshrl.u32 v3, $0x11  }
0xae: {  	v7 =	vshrl.u32 v7, $0x11;
	[tilespmem:v5+s7+$0x0] =	vst.idx.add.s32.msk $0xffff, v0  }
0xaf: {  	[tilespmem:v4+s7+$0x0] =	vst.idx.add.s32.msk $0xffff, v0;
	v4 =	vshrl.u32 v8, $0x11  }
0xb0: {  	[tilespmem:v6+s7+$0x0] =	vst.idx.add.s32.msk $0xffff, v0;
	v5 =	vshrl.u32 v9, $0x11  }
0xb1: {  	v6 =	vld [tilespmem:s14+$0xFFFFFE20];
	v8 =	vshrl.u32 v10, $0x11  }
0xb2: {  	v9 =	vshrl.u32 v11, $0x11;
	[tilespmem:v3+s7+$0x0] =	vst.idx.add.s32.msk $0xffff, v0  }
0xb3: {  	v3 =	vld [tilespmem:s14+$0x1B0]  }
0xb4: {  	[tilespmem:v7+s7+$0x0] =	vst.idx.add.s32.msk $0xffff, v0  }
0xb5: {  	[tilespmem:v4+s7+$0x0] =	vst.idx.add.s32.msk $0xffff, v0  }
0xb6: {  	v4 =	vshrl.u32 v6, $0x11;
	[tilespmem:v5+s7+$0x0] =	vst.idx.add.s32.msk $0xffff, v0  }
0xb7: {  	[tilespmem:v8+s7+$0x0] =	vst.idx.add.s32.msk $0xffff, v0  }
0xb8: {  	[tilespmem:v9+s7+$0x0] =	vst.idx.add.s32.msk $0xffff, v0;
	v3 =	vshrl.u32 v3, $0x11  }
0xb9: {  	v5 =	vld [tilespmem:s14+$0xFFFFFEA0]  }
0xba: {  	v6 =	vld [tilespmem:s14+$0xFFFFFF20]  }
0xbb: {  	v7 =	vld [tilespmem:s14+$0xFFFFFFA0]  }
0xbc: {  	v8 =	vld [tilespmem:s14+$0x20]  }
0xbd: {  	[tilespmem:v3+s7+$0x0] =	vst.idx.add.s32.msk $0xffff, v0  }
0xbe: {  	v3 =	vshrl.u32 v5, $0x11;
	v5 =	vld [tilespmem:s14+$0x1C0]  }
0xbf: {  	v6 =	vshrl.u32 v6, $0x11;
	v9 =	vld [tilespmem:s14+$0xA0]  }
0xc0: {  	v7 =	vshrl.u32 v7, $0x11;
	v10 =	vld [tilespmem:s14+$0x120]  }
0xc1: {  	[tilespmem:v4+s7+$0x0] =	vst.idx.add.s32.msk $0xffff, v0;
	v4 =	vshrl.u32 v8, $0x11  }
0xc2: {  	v8 =	vld [tilespmem:s14+$0xFFFFFE30]  }
0xc3: {  	[tilespmem:v3+s7+$0x0] =	vst.idx.add.s32.msk $0xffff, v0;
	v3 =	vshrl.u32 v5, $0x11  }
0xc4: {  	[tilespmem:v6+s7+$0x0] =	vst.idx.add.s32.msk $0xffff, v0;
	v5 =	vshrl.u32 v9, $0x11  }
0xc5: {  	[tilespmem:v7+s7+$0x0] =	vst.idx.add.s32.msk $0xffff, v0;
	v6 =	vshrl.u32 v10, $0x11  }
0xc6: {  	[tilespmem:v4+s7+$0x0] =	vst.idx.add.s32.msk $0xffff, v0  }
0xc7: {  	v4 =	vshrl.u32 v8, $0x11;
	v7 =	vld [tilespmem:s14+$0xFFFFFEB0]  }
0xc8: {  	[tilespmem:v3+s7+$0x0] =	vst.idx.add.s32.msk $0xffff, v0  }
0xc9: {  	v3 =	vld [tilespmem:s14+$0x1D0]  }
0xca: {  	[tilespmem:v5+s7+$0x0] =	vst.idx.add.s32.msk $0xffff, v0  }
0xcb: {  	[tilespmem:v6+s7+$0x0] =	vst.idx.add.s32.msk $0xffff, v0  }
0xcc: {  	v5 =	vshrl.u32 v7, $0x11;
	v6 =	vld [tilespmem:s14+$0xFFFFFF30]  }
0xcd: {  	v7 =	vld [tilespmem:s14+$0xFFFFFFB0]  }
0xce: {  	v8 =	vld [tilespmem:s14+$0x30];
	v3 =	vshrl.u32 v3, $0x11  }
0xcf: {  	v9 =	vld [tilespmem:s14+$0xB0]  }
0xd0: {  	v10 =	vld [tilespmem:s14+$0x130]  }
0xd1: {  	[tilespmem:v4+s7+$0x0] =	vst.idx.add.s32.msk $0xffff, v0;
	v4 =	vshrl.u32 v6, $0x11  }
0xd2: {  	[tilespmem:v5+s7+$0x0] =	vst.idx.add.s32.msk $0xffff, v0;
	v5 =	vshrl.u32 v7, $0x11  }
0xd3: {  	v6 =	vshrl.u32 v8, $0x11;
	[tilespmem:v3+s7+$0x0] =	vst.idx.add.s32.msk $0xffff, v0  }
0xd4: {  	v3 =	vshrl.u32 v9, $0x11;
	v7 =	vld [tilespmem:s14+$0x1E0]  }
0xd5: {  	v8 =	vld [tilespmem:s14+$0xFFFFFE40];
	v9 =	vshrl.u32 v10, $0x11  }
0xd6: {  	[tilespmem:v4+s7+$0x0] =	vst.idx.add.s32.msk $0xffff, v0  }
0xd7: {  	[tilespmem:v5+s7+$0x0] =	vst.idx.add.s32.msk $0xffff, v0  }
0xd8: {  	[tilespmem:v6+s7+$0x0] =	vst.idx.add.s32.msk $0xffff, v0  }
0xd9: {  	[tilespmem:v3+s7+$0x0] =	vst.idx.add.s32.msk $0xffff, v0;
	v3 =	vshrl.u32 v7, $0x11  }
0xda: {  	v4 =	vshrl.u32 v8, $0x11;
	[tilespmem:v9+s7+$0x0] =	vst.idx.add.s32.msk $0xffff, v0  }
0xdb: {  	v5 =	vld [tilespmem:s14+$0xFFFFFEC0]  }
0xdc: {  	v6 =	vld [tilespmem:s14+$0xFFFFFF40]  }
0xdd: {  	v7 =	vld [tilespmem:s14+$0xFFFFFFC0]  }
0xde: {  	[tilespmem:v3+s7+$0x0] =	vst.idx.add.s32.msk $0xffff, v0  }
0xdf: {  	v3 =	vld [tilespmem:s14+$0x1F0]  }
0xe0: {  	v5 =	vshrl.u32 v5, $0x11;
	v8 =	vld [tilespmem:s14+$0x40]  }
0xe1: {  	v6 =	vshrl.u32 v6, $0x11;
	v9 =	vld [tilespmem:s14+$0xC0]  }
0xe2: {  	v7 =	vshrl.u32 v7, $0x11;
	v10 =	vld [tilespmem:s14+$0x140]  }
0xe3: {  	[tilespmem:v4+s7+$0x0] =	vst.idx.add.s32.msk $0xffff, v0  }
0xe4: {  	v4 =	vld [tilespmem:s14+$0xFFFFFE50];
	v3 =	vshrl.u32 v3, $0x11  }
0xe5: {  	[tilespmem:v5+s7+$0x0] =	vst.idx.add.s32.msk $0xffff, v0;
	v5 =	vshrl.u32 v8, $0x11  }
0xe6: {  	[tilespmem:v6+s7+$0x0] =	vst.idx.add.s32.msk $0xffff, v0;
	v6 =	vshrl.u32 v9, $0x11  }
0xe7: {  	[tilespmem:v7+s7+$0x0] =	vst.idx.add.s32.msk $0xffff, v0;
	v7 =	vshrl.u32 v10, $0x11  }
0xe8: {  	v8 =	vld [tilespmem:s14+$0xFFFFFED0]  }
0xe9: {  	v4 =	vshrl.u32 v4, $0x11;
	[tilespmem:v3+s7+$0x0] =	vst.idx.add.s32.msk $0xffff, v0  }
0xea: {  	[tilespmem:v5+s7+$0x0] =	vst.idx.add.s32.msk $0xffff, v0  }
0xeb: {  	[tilespmem:v6+s7+$0x0] =	vst.idx.add.s32.msk $0xffff, v0  }
0xec: {  	[tilespmem:v7+s7+$0x0] =	vst.idx.add.s32.msk $0xffff, v0  }
0xed: {  	v3 =	vshrl.u32 v8, $0x11;
	v5 =	vld [tilespmem:s14+$0xFFFFFF50]  }
0xee: {  	v6 =	vld [tilespmem:s14+$0xFFFFFFD0]  }
0xef: {  	v7 =	vld [tilespmem:s14+$0x50]  }
0xf0: {  	v8 =	vld [tilespmem:s14+$0xD0]  }
0xf1: {  	v9 =	vld [tilespmem:s14+$0x150]  }
0xf2: {  	[tilespmem:v4+s7+$0x0] =	vst.idx.add.s32.msk $0xffff, v0;
	v4 =	vshrl.u32 v5, $0x11  }
0xf3: {  	[tilespmem:v3+s7+$0x0] =	vst.idx.add.s32.msk $0xffff, v0;
	v3 =	vshrl.u32 v6, $0x11  }
0xf4: {  	v5 =	vld [tilespmem:s14+$0xFFFFFE60];
	v6 =	vshrl.u32 v7, $0x11  }
0xf5: {  	v7 =	vld [tilespmem:s14+$0xFFFFFEE0];
	v8 =	vshrl.u32 v8, $0x11  }
0xf6: {  	v9 =	vshrl.u32 v9, $0x11;
	[tilespmem:v2+s7+$0x0] =	vst.idx.add.s32.msk $0xffff, v0  }
0xf7: {  	[tilespmem:v4+s7+$0x0] =	vst.idx.add.s32.msk $0xffff, v0  }
0xf8: {  	[tilespmem:v3+s7+$0x0] =	vst.idx.add.s32.msk $0xffff, v0  }
0xf9: {  	v2 =	vshrl.u32 v5, $0x11;
	[tilespmem:v6+s7+$0x0] =	vst.idx.add.s32.msk $0xffff, v0  }
0xfa: {  	v3 =	vshrl.u32 v7, $0x11;
	[tilespmem:v8+s7+$0x0] =	vst.idx.add.s32.msk $0xffff, v0  }
0xfb: {  	[tilespmem:v9+s7+$0x0] =	vst.idx.add.s32.msk $0xffff, v0  }
0xfc: {  	v4 =	vld [tilespmem:s14+$0xFFFFFF60]  }
0xfd: {  	v5 =	vld [tilespmem:s14+$0xFFFFFFE0]  }
0xfe: {  	v6 =	vld [tilespmem:s14+$0x60]  }
0xff: {  	v7 =	vld [tilespmem:s14+$0xE0]  }
0x100: {  	v8 =	vld [tilespmem:s14+$0x160]  }
0x101: {  	[tilespmem:v2+s7+$0x0] =	vst.idx.add.s32.msk $0xffff, v0;
	v2 =	vshrl.u32 v4, $0x11  }
0x102: {  	[tilespmem:v3+s7+$0x0] =	vst.idx.add.s32.msk $0xffff, v0;
	v3 =	vshrl.u32 v5, $0x11  }
0x103: {  	v4 =	vld [tilespmem:s14+$0xFFFFFE70];
	v5 =	vshrl.u32 v6, $0x11  }
0x104: {  	v6 =	vld [tilespmem:s14+$0xFFFFFEF0];
	v7 =	vshrl.u32 v7, $0x11  }
0x105: {  	v8 =	vshrl.u32 v8, $0x11;
	[tilespmem:v1+s7+$0x0] =	vst.idx.add.s32.msk $0xffff, v0  }
0x106: {  	[tilespmem:v2+s7+$0x0] =	vst.idx.add.s32.msk $0xffff, v0  }
0x107: {  	[tilespmem:v3+s7+$0x0] =	vst.idx.add.s32.msk $0xffff, v0  }
0x108: {  	v3 =	vshrl.u32 v4, $0x11;
	[tilespmem:v5+s7+$0x0] =	vst.idx.add.s32.msk $0xffff, v0  }
0x109: {  	v4 =	vshrl.u32 v6, $0x11;
	[tilespmem:v7+s7+$0x0] =	vst.idx.add.s32.msk $0xffff, v0  }
0x10a: {  	[tilespmem:v8+s7+$0x0] =	vst.idx.add.s32.msk $0xffff, v0  }
0x10b: {  	v6 =	vld [tilespmem:s14+$0xFFFFFF70]  }
0x10c: {  	v7 =	vld [tilespmem:s14+$0xFFFFFFF0]  }
.Ltmp0:
0x10d: {  	v5 =	vld [tilespmem:s14+$0x70];
	(pc) =	sbr.rel @p0 .LBB2_2-.Ltmp0, $4  }
0x10e: {  	v2 =	vld [tilespmem:s14+$0xF0]  }
0x10f: {  	v1 =	vld [tilespmem:s14+$0x170]  }
0x110: {  	[tilespmem:v3+s7+$0x0] =	vst.idx.add.s32.msk $0xffff, v0;
	v3 =	vshrl.u32 v6, $0x11  }
0x111: {  	s14 =	sadd.s32 $0x400, s14;
	[tilespmem:v4+s7+$0x0] =	vst.idx.add.s32.msk $0xffff, v0;
	v4 =	vshrl.u32 v7, $0x11  }
0x112: {  	_ = 	snop  }
0x113: {  	v5 =	vshrl.u32 v5, $0x11  }
0x114: {  	v2 =	vshrl.u32 v2, $0x11  }
0x115: {  	v1 =	vshrl.u32 v1, $0x11  }
0x116: {  	[tilespmem:v3+s7+$0x0] =	vst.idx.add.s32.msk $0xffff, v0  }
0x117: {  	[tilespmem:v4+s7+$0x0] =	vst.idx.add.s32.msk $0xffff, v0  }
0x118: {  	s12 =	sadd.s32 $0x1, s12;
	[tilespmem:v5+s7+$0x0] =	vst.idx.add.s32.msk $0xffff, v0  }
0x119: {  	p0 =	sne.s32 s12, s6;
	[tilespmem:v2+s7+$0x0] =	vst.idx.add.s32.msk $0xffff, v0  }
.Ltmp1:
0x11a: {  	[tilespmem:v1+s7+$0x0] =	vst.idx.add.s32.msk $0xffff, v0;
	(pc) =	sbr.rel @p0 .LBB2_1-.Ltmp1, $4  }
0x11b: {  	[hbm4b:s5+s10] =	stream.strided.scatter [tilespmem:s7], [sflag:$0x2], $0x4000, s11, s10, $0x38;
	[tilespmem:$0xC000] =	vst v63  }
0x11c: {  	_ =	swait.ge [sflag:s8], $0x4000  }
0x11d: {  	[sflag:s8] =	ssyncset.done $0x0  }
0x11e: {  	[sflag:s8] =	ssyncadd.s32 $0xFFFFC000  }
0x11f: {  	_ =	sfence.sel $0x180000  }
0x120: {  	[bflag:$0x0] =	sbarrier.arrive $0xFFFF  }
0x121: {  	p0 =	sne.s32 s0, $0x0;
	_ =	strace $0x90000047  }
0x122: {  	s0 =	sadd.s32 @!p0 $0x100000, s1;
	[bflag:$0x2] =	sbarrier.arrive $0xFFFF  }
0x123: {  	[sflag:s0] =	ssyncadd.tile.s32 @!p0 $0x1;
	_ =	shalt  }
.Lfunc_end2:
_tile_overlayer_lowered:
.L_overlay_start_2:
0x124: {  	(tag) =	ssettag $0x2  }
0x125: {  	s0 =	rddreg [dreg:$0x0];
	s2 =	stileid.u32  }
0x126: {  	s1 =	rddreg [dreg:$0x1];
	p0 =	sne.s32 s2, $0x0  }
0x127: {  	s3 =	rddreg [dreg:$0x2];
	[bflag:$0x3] =	sbarrier.arrive $0xFFFF;
	s2 =	simm.s32 @!p0 $0x1C02  }
0x128: {  	[timem:s3], [sflag:s2] =	dma.local @!p0 [hbm:s0], s1  }
0x129: {  	s0 =	simm.s32 @!p0 $0x2  }
0x12a: {  	_ =	swait.ge @!p0 [sflag:s0], s1  }
0x12b: {  	s1 =	ssub.s32 @!p0 $0x0, s1;
	[sflag:s0] =	ssyncset.done @!p0 $0x0  }
0x12c: {  	[sflag:s0] =	ssyncadd.s32 @!p0 s1  }
0x12d: {  	[bflag:$0x3] =	sbarrier.arrive $0xFFFF  }
0x12e: {  	_ =	shalt  }

</sc_bundles>
